<compile_context>
chip_gen: v7x
topology: tpu7x:2x2x1
jax: 0.10.2.dev20260603
libtpu: 0.0.44.dev20260713+nightly
codegen_flags: <defaults>
</compile_context>

<pallas_src>
import functools

import jax
import jax.numpy as jnp
from jax import lax
from jax.experimental import pallas as pl
from jax.experimental.pallas import tpu as pltpu
from jax.experimental.pallas import tpu_sc as plsc

_E = 160000
_A = 640000
_LANES = 16
_NCORES = 2
_NSUB = 16
_HALF = _E // _NCORES
_PER_SUB = _A // _NSUB
_CHUNK = 2000
_NCHUNK = _PER_SUB // _CHUNK
_ZROWS = 5008
_SEG_ROWS = _NSUB * _ZROWS
_DISCARD = _HALF


_PBLK = 320
_PGRID = (_A // 8) // _PBLK


def _proj_body(*refs):
    a_refs, w_ref, o_ref = refs[:8], refs[8], refs[9]
    parts = [
        lax.dot_general(a_ref[...], w_ref[...],
                        (((1,), (1,)), ((), ())),
                        preferred_element_type=jnp.float32)
        for a_ref in a_refs
    ]
    o_ref[...] = jnp.concatenate(parts, axis=1)


def _project(a_sbf, w16):
    nsph = a_sbf.shape[1]

    def _mk(j):
        return pl.BlockSpec((_PBLK, nsph), lambda i, j=j: (j * _PGRID + i, 0))

    return pl.pallas_call(
        _proj_body,
        grid=(_PGRID,),
        in_specs=[_mk(j) for j in range(8)] + [
            pl.BlockSpec(w16.shape, lambda i: (0, 0)),
        ],
        out_specs=pl.BlockSpec((_PBLK, 128), lambda i: (i, 0)),
        out_shape=jax.ShapeDtypeStruct((_A // 8, 128), jnp.float32),
    )(*([a_sbf] * 8 + [w16]))


def _segsum(t16, kj_idx):
    mesh = plsc.VectorSubcoreMesh(core_axis_name="c", subcore_axis_name="s")

    @functools.partial(
        pl.kernel,
        out_type=jax.ShapeDtypeStruct((_E, _LANES), jnp.float32),
        mesh=mesh,
        scratch_types=[
            pltpu.VMEM((_CHUNK, _LANES), jnp.float32),
            pltpu.VMEM((_CHUNK,), jnp.int32),
            pltpu.VMEM_SHARED((_SEG_ROWS, _LANES), jnp.float32),
        ],
        compiler_params=pltpu.CompilerParams(use_tc_tiling_on_sc=False),
    )
    def k(t_hbm, i_hbm, seg_hbm, tbuf, ibuf, seg_sh):
        c = lax.axis_index("c")
        s = lax.axis_index("s")

        zvec = jnp.zeros((_LANES,), jnp.float32)

        @pl.loop(0, _CHUNK)
        def _(i):
            tbuf[i] = zvec

        zbase = s * _ZROWS
        pltpu.sync_copy(tbuf.at[pl.ds(0, _CHUNK)], seg_sh.at[pl.ds(zbase, _CHUNK)])
        pltpu.sync_copy(tbuf.at[pl.ds(0, _CHUNK)],
                        seg_sh.at[pl.ds(zbase + _CHUNK, _CHUNK)])
        pltpu.sync_copy(tbuf.at[pl.ds(0, _ZROWS - 2 * _CHUNK)],
                        seg_sh.at[pl.ds(zbase + 2 * _CHUNK, _ZROWS - 2 * _CHUNK)])
        plsc.subcore_barrier()

        lo = c * _HALF

        @pl.loop(0, _NCHUNK)
        def _(j):
            off = s * _PER_SUB + j * _CHUNK
            pltpu.sync_copy(t_hbm.at[pl.ds(off, _CHUNK)], tbuf)
            pltpu.sync_copy(i_hbm.at[pl.ds(off, _CHUNK)], ibuf)

            @pl.loop(0, _CHUNK, step=_LANES)
            def _(i):
                v = ibuf[pl.ds(i, _LANES)] - lo
                ok = (v >= 0) & (v < _HALF)
                ibuf[pl.ds(i, _LANES)] = jnp.where(ok, v, _DISCARD)

            pltpu.sync_copy(tbuf, seg_sh.at[ibuf], add=True)

        plsc.subcore_barrier()

        out_rows = _HALF // _NSUB
        ob = s * out_rows
        pltpu.sync_copy(seg_sh.at[pl.ds(ob, out_rows)],
                        seg_hbm.at[pl.ds(lo + ob, out_rows)])

    kj_p = jnp.transpose(jnp.reshape(kj_idx, (8, _A // 8))).reshape(_A)
    return k(jnp.reshape(t16, (_A, _LANES)), kj_p)


def _ef_body(m_ref, e_ref, wn_ref, b_ref, we_ref, o_ref):
    x = lax.dot_general(m_ref[...].astype(jnp.bfloat16), wn_ref[...],
                        (((1,), (1,)), ((), ())),
                        preferred_element_type=jnp.float32) + b_ref[...]
    nbr = x * jax.nn.sigmoid(x)
    te = lax.dot_general(e_ref[...].astype(jnp.bfloat16), we_ref[...],
                         (((1,), (1,)), ((), ())),
                         preferred_element_type=jnp.float32)
    o_ref[...] = (nbr * te).astype(jnp.bfloat16)


def _edge_factor(m_ji, e_rbf, w_nbr, b2, w_erbf):
    blk = 4000
    cat = m_ji.shape[1]
    nrbf = e_rbf.shape[1]
    return pl.pallas_call(
        _ef_body,
        grid=(_E // blk,),
        in_specs=[
            pl.BlockSpec((blk, cat), lambda i: (i, 0)),
            pl.BlockSpec((blk, nrbf), lambda i: (i, 0)),
            pl.BlockSpec((cat, cat), lambda i: (0, 0)),
            pl.BlockSpec((1, cat), lambda i: (0, 0)),
            pl.BlockSpec((cat, nrbf), lambda i: (0, 0)),
        ],
        out_specs=pl.BlockSpec((blk, cat), lambda i: (i, 0)),
        out_shape=jax.ShapeDtypeStruct((_E, cat), jnp.bfloat16),
    )(m_ji, e_rbf, w_nbr, b2, w_erbf)


def _final_body(ef_ref, s_ref, fw_ref, o_ref):
    sa = lax.dot_general(s_ref[...].astype(jnp.bfloat16), fw_ref[...],
                         (((1,), (0,)), ((), ())),
                         preferred_element_type=jnp.float32)
    o_ref[...] = ef_ref[...].astype(jnp.float32) * sa


def _final(ef, seg, fw16):
    blk = 4000
    cat = ef.shape[1]
    return pl.pallas_call(
        _final_body,
        grid=(_E // blk,),
        in_specs=[
            pl.BlockSpec((blk, cat), lambda i: (i, 0)),
            pl.BlockSpec((blk, _LANES), lambda i: (i, 0)),
            pl.BlockSpec((_LANES, cat), lambda i: (0, 0)),
        ],
        out_specs=pl.BlockSpec((blk, cat), lambda i: (i, 0)),
        out_shape=jax.ShapeDtypeStruct((_E, cat), jnp.float32),
    )(ef, seg, fw16)


def kernel(m_ji, nbr_list, angle_list, e_rbf, a_sbf, kj_idx,
           W_nbr, b_nbr, W_erbf, W_asbf, final_w):
    cat = m_ji.shape[1]
    w16 = (jnp.zeros((_LANES, W_asbf.shape[1]), jnp.float32)
           .at[:W_asbf.shape[0]].set(W_asbf).astype(jnp.bfloat16))
    fw16 = (jnp.zeros((_LANES, cat), jnp.float32)
            .at[:final_w.shape[0]].set(final_w).astype(jnp.bfloat16))
    t16 = _project(a_sbf.astype(jnp.bfloat16), w16)
    seg = _segsum(t16, kj_idx)
    ef = _edge_factor(m_ji, e_rbf, W_nbr.astype(jnp.bfloat16),
                      b_nbr.reshape(1, cat), W_erbf.astype(jnp.bfloat16))
    return _final(ef, seg, fw16)

# --- scband reference (transcript-rebuilt; emitter-appended) ---
"""Pipeline reference for scband-directed-message-53412213293603 (READ-ONLY COPY).

The authoritative reference and input builder live on the scoring server;
editing this copy changes nothing except your own understanding.
"""

import jax, jax.numpy as jnp
import numpy as np

E = 160000
A = 640000
N_NODES = 10000
ATOM_EMBED_DIM = 64
N_RBF = 6
N_SPHER = 7
L_SPHER = 7
N_BILINEAR = 6
CAT_DIM = 2 * ATOM_EMBED_DIM + N_RBF
A_DIM = N_SPHER * L_SPHER


def _glorot(key, shape):
    fan_in, fan_out = shape[1], shape[0]
    scale = np.sqrt(2.0 / (fan_in + fan_out))
    return (jax.random.normal(key, shape, dtype=jnp.float32) * scale).astype(jnp.float32)


def setup_inputs(seed: int = 0) -> dict:
    key = jax.random.key(seed)
    ks = jax.random.split(key, 11)
    m_ji = jax.random.normal(ks[0], (E, CAT_DIM), dtype=jnp.float32)
    nbr_list = jax.random.randint(ks[1], (E, 2), 0, N_NODES, dtype=jnp.int32)
    angle_list = jax.random.randint(ks[2], (A, 3), 0, E, dtype=jnp.int32)
    e_rbf = jax.random.uniform(ks[3], (E, N_RBF), dtype=jnp.float32)
    a_sbf = jax.random.normal(ks[4], (A, A_DIM), dtype=jnp.float32)
    kj_idx = jax.random.randint(ks[5], (A,), 0, E, dtype=jnp.int32)
    W_nbr = _glorot(ks[6], (CAT_DIM, CAT_DIM))
    b_nbr = jnp.zeros((CAT_DIM,), dtype=jnp.float32)
    W_erbf = _glorot(ks[7], (CAT_DIM, N_RBF))
    W_asbf = _glorot(ks[8], (N_BILINEAR, A_DIM))
    final_w = _glorot(ks[9], (N_RBF, CAT_DIM))
    return {
        'm_ji': m_ji,
        'nbr_list': nbr_list,
        'angle_list': angle_list,
        'e_rbf': e_rbf,
        'a_sbf': a_sbf,
        'kj_idx': kj_idx,
        'W_nbr': W_nbr,
        'b_nbr': b_nbr,
        'W_erbf': W_erbf,
        'W_asbf': W_asbf,
        'final_w': final_w,
    }


def reference(m_ji, nbr_list, angle_list, e_rbf, a_sbf, kj_idx,
              W_nbr, b_nbr, W_erbf, W_asbf, final_w):
    # nbr_m_block: gather edge messages by kj_idx, linear + swish
    m_kj = jnp.take(m_ji, kj_idx, axis=0)                      # [A, cat_dim]
    transf_nbr_m = jax.nn.silu(m_kj @ W_nbr.T + b_nbr)         # [A, cat_dim]
    # e_block: gather rbf by kj_idx, linear (no bias)
    repeated_e = jnp.take(e_rbf, kj_idx, axis=0)               # [A, n_rbf]
    transf_e = repeated_e @ W_erbf.T                           # [A, cat_dim]
    m_and_e = transf_nbr_m * transf_e                          # [A, cat_dim]
    # spherical-basis projection to bilinear dim (n_bilinear == n_rbf)
    transf_a = a_sbf @ W_asbf.T                                # [A, n_bilinear]
    # bilinear mixing with final_w [n_rbf, cat_dim]
    out = (transf_a @ final_w) * m_and_e                       # [A, cat_dim]
    # scatter_add back onto source edges
    final = jnp.zeros((m_ji.shape[0], out.shape[1]), dtype=out.dtype).at[kj_idx].add(out)
    return final

if __name__ == "__main__":
    import jax
    _d = setup_inputs()
    print(jax.jit(kernel)(*tuple(_d.values())))

</pallas_src>

<mosaic_0001>
#map = affine_map<(d0, d1) -> (0, 0)>
#map1 = affine_map<(d0, d1) -> (0)>
module attributes {stable_mosaic.version = 14 : i64} {
  func.func @k(%arg0: i32, %arg1: i32, %arg2: memref<640000x16xf32, #tpu.memory_space<hbm>>, %arg3: memref<640000xi32, #tpu.memory_space<hbm>>, %arg4: memref<160000x16xf32, #tpu.memory_space<hbm>>, %arg5: memref<2000x16xf32, #tpu.memory_space<vmem>>, %arg6: memref<2000xi32, #tpu.memory_space<vmem>>, %arg7: memref<80128x16xf32, #tpu.memory_space<vmem_shared>>) attributes {dimension_semantics = [#tpu.dimension_semantics<core_parallel>, #tpu.dimension_semantics<subcore_parallel>], iteration_bounds = array<i64: 2, 16>, scalar_prefetch = 0 : i64, scratch_operands = 3 : i64, tpu.core_type = #tpu.core_type<sc_vector_subcore>, window_params = [{transform_indices = #map}, {transform_indices = #map1}, {transform_indices = #map}]} {
    %broadcast_in_dim3A = arith.constant 0.000000e+00 : f32
    %broadcast_in_dim3A_0 = vector.broadcast %broadcast_in_dim3A : f32 to vector<16xf32>
    %scan3A = arith.constant 0 : i32
    %scan3A_1 = arith.constant 2000 : i32
    %scan3A_2 = arith.addi %scan3A, %scan3A_1 : i32
    %scan3A_3 = arith.constant 1 : i32
    scf.for %scan3A_20 = %scan3A to %scan3A_2 step %scan3A_3  : i32 {
      %mul3A_21 = arith.constant 1 : i32
      %mul3A_22 = arith.muli %scan3A_20, %mul3A_21 : i32
      %add3A_23 = arith.constant 0 : i32
      %add3A_24 = arith.addi %add3A_23, %mul3A_22 : i32
      %swap3A = arith.index_cast %add3A_24 : i32 to index
      %swap3A_25 = arith.constant 0 : index
      %swap3A_26 = tpu.vector_load %arg5[%swap3A, %swap3A_25] {strides = array<i32>} : memref<2000x16xf32, #tpu.memory_space<vmem>>, vector<1x16xf32>,
      %swap3A_27 = vector.shape_cast %swap3A_26 : vector<1x16xf32> to vector<16xf32>
      %swap3A_28 = vector.shape_cast %broadcast_in_dim3A_0 : vector<16xf32> to vector<1x16xf32>
      tpu.vector_store %arg5[%swap3A, %swap3A_25], %swap3A_28 {strides = array<i32>} : memref<2000x16xf32, #tpu.memory_space<vmem>>, vector<1x16xf32>,
    }
    %scan3A_4 = arith.constant 2000 : i32
    %mul3A = arith.constant 5008 : i32
    %mul3A_5 = arith.muli %arg1, %mul3A : i32
    "tpu.region"() ({
      %run_scoped3A = tpu.sem_alloc : memref<!tpu.dma_semaphore, #tpu.memory_space<semaphore_mem>>
      %dma_start3A = arith.constant 0 : i32
      %dma_start3A_20 = arith.constant 0 : i32
      %dma_start3A_21 = tpu.memref_slice %arg5[%dma_start3A, %dma_start3A_20] : memref<2000x16xf32, #tpu.memory_space<vmem>> -> memref<2000x16xf32, #tpu.memory_space<vmem>>
      %dma_start3A_22 = arith.constant 0 : i32
      %dma_start3A_23 = tpu.memref_slice %arg7[%mul3A_5, %dma_start3A_22] : memref<80128x16xf32, #tpu.memory_space<vmem_shared>> -> memref<2000x16xf32, #tpu.memory_space<vmem_shared>>
      %dma_start3A_24 = arith.constant 0 : i32
      %dma_start3A_25 = tpu.memref_slice %arg7[%mul3A_5, %dma_start3A_24] : memref<80128x16xf32, #tpu.memory_space<vmem_shared>> -> memref<2000x16xf32, #tpu.memory_space<vmem_shared>>
      %dma_start3A_26 = arith.constant 0 : i32
      %dma_start3A_27 = arith.constant 0 : i32
      %dma_start3A_28 = tpu.memref_slice %arg5[%dma_start3A_26, %dma_start3A_27] : memref<2000x16xf32, #tpu.memory_space<vmem>> -> memref<2000x16xf32, #tpu.memory_space<vmem>>
      tpu.enqueue_dma source(%dma_start3A_28 : memref<2000x16xf32, #tpu.memory_space<vmem>>) target(%dma_start3A_25 : memref<2000x16xf32, #tpu.memory_space<vmem_shared>>) target_semaphore(%run_scoped3A : memref<!tpu.dma_semaphore, #tpu.memory_space<semaphore_mem>>)
      %dma_wait3A = arith.constant 0 : i32
      %dma_wait3A_29 = arith.constant 0 : i32
      %dma_wait3A_30 = tpu.memref_slice %arg5[%dma_wait3A, %dma_wait3A_29] : memref<2000x16xf32, #tpu.memory_space<vmem>> -> memref<2000x16xf32, #tpu.memory_space<vmem>>
      %dma_wait3A_31 = arith.constant 0 : i32
      %dma_wait3A_32 = tpu.memref_slice %arg7[%mul3A_5, %dma_wait3A_31] : memref<80128x16xf32, #tpu.memory_space<vmem_shared>> -> memref<2000x16xf32, #tpu.memory_space<vmem_shared>>
      %dma_wait3A_33 = arith.constant 0 : i32
      %dma_wait3A_34 = tpu.memref_slice %arg7[%mul3A_5, %dma_wait3A_33] : memref<80128x16xf32, #tpu.memory_space<vmem_shared>> -> memref<2000x16xf32, #tpu.memory_space<vmem_shared>>
      %dma_wait3A_35 = arith.constant 0 : i32
      %dma_wait3A_36 = arith.constant 0 : i32
      %dma_wait3A_37 = tpu.memref_slice %arg5[%dma_wait3A_35, %dma_wait3A_36] : memref<2000x16xf32, #tpu.memory_space<vmem>> -> memref<2000x16xf32, #tpu.memory_space<vmem>>
      tpu.wait_dma2 semaphore(%run_scoped3A : memref<!tpu.dma_semaphore, #tpu.memory_space<semaphore_mem>>) src(%dma_wait3A_37 : memref<2000x16xf32, #tpu.memory_space<vmem>>) dst(%dma_wait3A_34 : memref<2000x16xf32, #tpu.memory_space<vmem_shared>>)
      tpu.yield
    }) : () -> ()
    %add3A = arith.constant 2000 : i32
    %add3A_6 = arith.addi %mul3A_5, %add3A : i32
    "tpu.region"() ({
      %run_scoped3A = tpu.sem_alloc : memref<!tpu.dma_semaphore, #tpu.memory_space<semaphore_mem>>
      %dma_start3A = arith.constant 0 : i32
      %dma_start3A_20 = arith.constant 0 : i32
      %dma_start3A_21 = tpu.memref_slice %arg5[%dma_start3A, %dma_start3A_20] : memref<2000x16xf32, #tpu.memory_space<vmem>> -> memref<2000x16xf32, #tpu.memory_space<vmem>>
      %dma_start3A_22 = arith.constant 0 : i32
      %dma_start3A_23 = tpu.memref_slice %arg7[%add3A_6, %dma_start3A_22] : memref<80128x16xf32, #tpu.memory_space<vmem_shared>> -> memref<2000x16xf32, #tpu.memory_space<vmem_shared>>
      %dma_start3A_24 = arith.constant 0 : i32
      %dma_start3A_25 = tpu.memref_slice %arg7[%add3A_6, %dma_start3A_24] : memref<80128x16xf32, #tpu.memory_space<vmem_shared>> -> memref<2000x16xf32, #tpu.memory_space<vmem_shared>>
      %dma_start3A_26 = arith.constant 0 : i32
      %dma_start3A_27 = arith.constant 0 : i32
      %dma_start3A_28 = tpu.memref_slice %arg5[%dma_start3A_26, %dma_start3A_27] : memref<2000x16xf32, #tpu.memory_space<vmem>> -> memref<2000x16xf32, #tpu.memory_space<vmem>>
      tpu.enqueue_dma source(%dma_start3A_28 : memref<2000x16xf32, #tpu.memory_space<vmem>>) target(%dma_start3A_25 : memref<2000x16xf32, #tpu.memory_space<vmem_shared>>) target_semaphore(%run_scoped3A : memref<!tpu.dma_semaphore, #tpu.memory_space<semaphore_mem>>)
      %dma_wait3A = arith.constant 0 : i32
      %dma_wait3A_29 = arith.constant 0 : i32
      %dma_wait3A_30 = tpu.memref_slice %arg5[%dma_wait3A, %dma_wait3A_29] : memref<2000x16xf32, #tpu.memory_space<vmem>> -> memref<2000x16xf32, #tpu.memory_space<vmem>>
      %dma_wait3A_31 = arith.constant 0 : i32
      %dma_wait3A_32 = tpu.memref_slice %arg7[%add3A_6, %dma_wait3A_31] : memref<80128x16xf32, #tpu.memory_space<vmem_shared>> -> memref<2000x16xf32, #tpu.memory_space<vmem_shared>>
      %dma_wait3A_33 = arith.constant 0 : i32
      %dma_wait3A_34 = tpu.memref_slice %arg7[%add3A_6, %dma_wait3A_33] : memref<80128x16xf32, #tpu.memory_space<vmem_shared>> -> memref<2000x16xf32, #tpu.memory_space<vmem_shared>>
      %dma_wait3A_35 = arith.constant 0 : i32
      %dma_wait3A_36 = arith.constant 0 : i32
      %dma_wait3A_37 = tpu.memref_slice %arg5[%dma_wait3A_35, %dma_wait3A_36] : memref<2000x16xf32, #tpu.memory_space<vmem>> -> memref<2000x16xf32, #tpu.memory_space<vmem>>
      tpu.wait_dma2 semaphore(%run_scoped3A : memref<!tpu.dma_semaphore, #tpu.memory_space<semaphore_mem>>) src(%dma_wait3A_37 : memref<2000x16xf32, #tpu.memory_space<vmem>>) dst(%dma_wait3A_34 : memref<2000x16xf32, #tpu.memory_space<vmem_shared>>)
      tpu.yield
    }) : () -> ()
    %add3A_7 = arith.constant 4000 : i32
    %add3A_8 = arith.addi %mul3A_5, %add3A_7 : i32
    "tpu.region"() ({
      %run_scoped3A = tpu.sem_alloc : memref<!tpu.dma_semaphore, #tpu.memory_space<semaphore_mem>>
      %dma_start3A = arith.constant 0 : i32
      %dma_start3A_20 = arith.constant 0 : i32
      %dma_start3A_21 = tpu.memref_slice %arg5[%dma_start3A, %dma_start3A_20] : memref<2000x16xf32, #tpu.memory_space<vmem>> -> memref<1008x16xf32, #tpu.memory_space<vmem>>
      %dma_start3A_22 = arith.constant 0 : i32
      %dma_start3A_23 = tpu.memref_slice %arg7[%add3A_8, %dma_start3A_22] : memref<80128x16xf32, #tpu.memory_space<vmem_shared>> -> memref<1008x16xf32, #tpu.memory_space<vmem_shared>>
      %dma_start3A_24 = arith.constant 0 : i32
      %dma_start3A_25 = tpu.memref_slice %arg7[%add3A_8, %dma_start3A_24] : memref<80128x16xf32, #tpu.memory_space<vmem_shared>> -> memref<1008x16xf32, #tpu.memory_space<vmem_shared>>
      %dma_start3A_26 = arith.constant 0 : i32
      %dma_start3A_27 = arith.constant 0 : i32
      %dma_start3A_28 = tpu.memref_slice %arg5[%dma_start3A_26, %dma_start3A_27] : memref<2000x16xf32, #tpu.memory_space<vmem>> -> memref<1008x16xf32, #tpu.memory_space<vmem>>
      tpu.enqueue_dma source(%dma_start3A_28 : memref<1008x16xf32, #tpu.memory_space<vmem>>) target(%dma_start3A_25 : memref<1008x16xf32, #tpu.memory_space<vmem_shared>>) target_semaphore(%run_scoped3A : memref<!tpu.dma_semaphore, #tpu.memory_space<semaphore_mem>>)
      %dma_wait3A = arith.constant 0 : i32
      %dma_wait3A_29 = arith.constant 0 : i32
      %dma_wait3A_30 = tpu.memref_slice %arg5[%dma_wait3A, %dma_wait3A_29] : memref<2000x16xf32, #tpu.memory_space<vmem>> -> memref<1008x16xf32, #tpu.memory_space<vmem>>
      %dma_wait3A_31 = arith.constant 0 : i32
      %dma_wait3A_32 = tpu.memref_slice %arg7[%add3A_8, %dma_wait3A_31] : memref<80128x16xf32, #tpu.memory_space<vmem_shared>> -> memref<1008x16xf32, #tpu.memory_space<vmem_shared>>
      %dma_wait3A_33 = arith.constant 0 : i32
      %dma_wait3A_34 = tpu.memref_slice %arg7[%add3A_8, %dma_wait3A_33] : memref<80128x16xf32, #tpu.memory_space<vmem_shared>> -> memref<1008x16xf32, #tpu.memory_space<vmem_shared>>
      %dma_wait3A_35 = arith.constant 0 : i32
      %dma_wait3A_36 = arith.constant 0 : i32
      %dma_wait3A_37 = tpu.memref_slice %arg5[%dma_wait3A_35, %dma_wait3A_36] : memref<2000x16xf32, #tpu.memory_space<vmem>> -> memref<1008x16xf32, #tpu.memory_space<vmem>>
      tpu.wait_dma2 semaphore(%run_scoped3A : memref<!tpu.dma_semaphore, #tpu.memory_space<semaphore_mem>>) src(%dma_wait3A_37 : memref<1008x16xf32, #tpu.memory_space<vmem>>) dst(%dma_wait3A_34 : memref<1008x16xf32, #tpu.memory_space<vmem_shared>>)
      tpu.yield
    }) : () -> ()
    %barrier3A = arith.constant 0 : index
    tpu.barrier barrier_id(%barrier3A)
    %mul3A_9 = arith.constant 80000 : i32
    %mul3A_10 = arith.muli %arg0, %mul3A_9 : i32
    %scan3A_11 = arith.constant 0 : i32
    %scan3A_12 = arith.constant 20 : i32
    %scan3A_13 = arith.addi %scan3A_11, %scan3A_12 : i32
    %scan3A_14 = arith.constant 1 : i32
    scf.for %scan3A_20 = %scan3A_11 to %scan3A_13 step %scan3A_14  : i32 {
      %mul3A_21 = arith.constant 1 : i32
      %mul3A_22 = arith.muli %scan3A_20, %mul3A_21 : i32
      %add3A_23 = arith.constant 0 : i32
      %add3A_24 = arith.addi %add3A_23, %mul3A_22 : i32
      %mul3A_25 = arith.constant 40000 : i32
      %mul3A_26 = arith.muli %arg1, %mul3A_25 : i32
      %mul3A_27 = arith.constant 2000 : i32
      %mul3A_28 = arith.muli %add3A_24, %mul3A_27 : i32
      %add3A_29 = arith.addi %mul3A_26, %mul3A_28 : i32
      "tpu.region"() ({
        %run_scoped3A = tpu.sem_alloc : memref<!tpu.dma_semaphore, #tpu.memory_space<semaphore_mem>>
        %dma_start3A = arith.constant 0 : i32
        %dma_start3A_35 = tpu.memref_slice %arg2[%add3A_29, %dma_start3A] : memref<640000x16xf32, #tpu.memory_space<hbm>> -> memref<2000x16xf32, #tpu.memory_space<hbm>>
        %dma_start3A_36 = arith.constant 0 : i32
        %dma_start3A_37 = tpu.memref_slice %arg2[%add3A_29, %dma_start3A_36] : memref<640000x16xf32, #tpu.memory_space<hbm>> -> memref<2000x16xf32, #tpu.memory_space<hbm>>
        tpu.enqueue_dma source(%dma_start3A_37 : memref<2000x16xf32, #tpu.memory_space<hbm>>) target(%arg5 : memref<2000x16xf32, #tpu.memory_space<vmem>>) target_semaphore(%run_scoped3A : memref<!tpu.dma_semaphore, #tpu.memory_space<semaphore_mem>>)
        %dma_wait3A = arith.constant 0 : i32
        %dma_wait3A_38 = tpu.memref_slice %arg2[%add3A_29, %dma_wait3A] : memref<640000x16xf32, #tpu.memory_space<hbm>> -> memref<2000x16xf32, #tpu.memory_space<hbm>>
        %dma_wait3A_39 = arith.constant 0 : i32
        %dma_wait3A_40 = tpu.memref_slice %arg2[%add3A_29, %dma_wait3A_39] : memref<640000x16xf32, #tpu.memory_space<hbm>> -> memref<2000x16xf32, #tpu.memory_space<hbm>>
        tpu.wait_dma2 semaphore(%run_scoped3A : memref<!tpu.dma_semaphore, #tpu.memory_space<semaphore_mem>>) src(%dma_wait3A_40 : memref<2000x16xf32, #tpu.memory_space<hbm>>) dst(%arg5 : memref<2000x16xf32, #tpu.memory_space<vmem>>)
        tpu.yield
      }) : () -> ()
      "tpu.region"() ({
        %run_scoped3A = tpu.sem_alloc : memref<!tpu.dma_semaphore, #tpu.memory_space<semaphore_mem>>
        %dma_start3A = tpu.memref_slice %arg3[%add3A_29] : memref<640000xi32, #tpu.memory_space<hbm>> -> memref<2000xi32, #tpu.memory_space<hbm>>
        %dma_start3A_35 = tpu.memref_slice %arg3[%add3A_29] : memref<640000xi32, #tpu.memory_space<hbm>> -> memref<2000xi32, #tpu.memory_space<hbm>>
        tpu.enqueue_dma source(%dma_start3A_35 : memref<2000xi32, #tpu.memory_space<hbm>>) target(%arg6 : memref<2000xi32, #tpu.memory_space<vmem>>) target_semaphore(%run_scoped3A : memref<!tpu.dma_semaphore, #tpu.memory_space<semaphore_mem>>)
        %dma_wait3A = tpu.memref_slice %arg3[%add3A_29] : memref<640000xi32, #tpu.memory_space<hbm>> -> memref<2000xi32, #tpu.memory_space<hbm>>
        %dma_wait3A_36 = tpu.memref_slice %arg3[%add3A_29] : memref<640000xi32, #tpu.memory_space<hbm>> -> memref<2000xi32, #tpu.memory_space<hbm>>
        tpu.wait_dma2 semaphore(%run_scoped3A : memref<!tpu.dma_semaphore, #tpu.memory_space<semaphore_mem>>) src(%dma_wait3A_36 : memref<2000xi32, #tpu.memory_space<hbm>>) dst(%arg6 : memref<2000xi32, #tpu.memory_space<vmem>>)
        tpu.yield
      }) : () -> ()
      %scan3A_30 = arith.constant 0 : i32
      %scan3A_31 = arith.constant 125 : i32
      %scan3A_32 = arith.addi %scan3A_30, %scan3A_31 : i32
      %scan3A_33 = arith.constant 1 : i32
      scf.for %scan3A_35 = %scan3A_30 to %scan3A_32 step %scan3A_33  : i32 {
        %mul3A_36 = arith.constant 16 : i32
        %mul3A_37 = arith.muli %scan3A_35, %mul3A_36 : i32
        %add3A_38 = arith.constant 0 : i32
        %add3A_39 = arith.addi %add3A_38, %mul3A_37 : i32
        %get3A = arith.index_cast %add3A_39 : i32 to index
        %get3A_40 = tpu.vector_load %arg6[%get3A] {strides = array<i32>} : memref<2000xi32, #tpu.memory_space<vmem>>, vector<16xi32>,
        %get3A_41 = vector.shape_cast %get3A_40 : vector<16xi32> to vector<16xi32>
        %sub3A = vector.broadcast %mul3A_10 : i32 to vector<16xi32>
        %sub3A_42 = arith.subi %get3A_41, %sub3A : vector<16xi32>
        %ge3A = arith.constant 0 : i32
        %ge3A_43 = vector.broadcast %ge3A : i32 to vector<16xi32>
        %ge3A_44 = arith.cmpi sge, %sub3A_42, %ge3A_43 : vector<16xi32>
        %lt3A = arith.constant 80000 : i32
        %lt3A_45 = vector.broadcast %lt3A : i32 to vector<16xi32>
        %lt3A_46 = arith.cmpi slt, %sub3A_42, %lt3A_45 : vector<16xi32>
        %and3A = arith.andi %ge3A_44, %lt3A_46 : vector<16xi1>
        %jit3A = arith.constant 80000 : i32
        %broadcast_in_dim3A_47 = vector.broadcast %jit3A : i32 to vector<16xi32>
        %select_n3A = arith.select %and3A, %sub3A_42, %broadcast_in_dim3A_47 : vector<16xi1>, vector<16xi32>
        %swap3A = arith.index_cast %add3A_39 : i32 to index
        %swap3A_48 = tpu.vector_load %arg6[%swap3A] {strides = array<i32>} : memref<2000xi32, #tpu.memory_space<vmem>>, vector<16xi32>,
        %swap3A_49 = vector.shape_cast %swap3A_48 : vector<16xi32> to vector<16xi32>
        %swap3A_50 = vector.shape_cast %select_n3A : vector<16xi32> to vector<16xi32>
        tpu.vector_store %arg6[%swap3A], %swap3A_50 {strides = array<i32>} : memref<2000xi32, #tpu.memory_space<vmem>>, vector<16xi32>,
      }
      %scan3A_34 = arith.constant 125 : i32
      "tpu.region"() ({
        %run_scoped3A = tpu.sem_alloc : memref<!tpu.dma_semaphore, #tpu.memory_space<semaphore_mem>>
        %dma_start3A = arith.constant 0 : i32
        %dma_start3A_35 = arith.constant 0 : i32
        %dma_start3A_36 = tpu.memref_slice %arg7[%dma_start3A, %dma_start3A_35] : memref<80128x16xf32, #tpu.memory_space<vmem_shared>> -> memref<80128x16xf32, #tpu.memory_space<vmem_shared>>
        tpu.enqueue_indirect_dma source(%arg5 : memref<2000x16xf32, #tpu.memory_space<vmem>>) target(%dma_start3A_36 : memref<80128x16xf32, #tpu.memory_space<vmem_shared>>) offsets(%arg6 : memref<2000xi32, #tpu.memory_space<vmem>>) semaphore(%run_scoped3A : memref<!tpu.dma_semaphore, #tpu.memory_space<semaphore_mem>>) {add = true}
        %dma_wait3A = arith.constant 0 : i32
        %dma_wait3A_37 = arith.constant 0 : i32
        %dma_wait3A_38 = tpu.memref_slice %arg7[%dma_wait3A, %dma_wait3A_37] : memref<80128x16xf32, #tpu.memory_space<vmem_shared>> -> memref<80128x16xf32, #tpu.memory_space<vmem_shared>>
        tpu.wait_indirect_dma semaphore(%run_scoped3A : memref<!tpu.dma_semaphore, #tpu.memory_space<semaphore_mem>>) src(%arg5 : memref<2000x16xf32, #tpu.memory_space<vmem>>) dst(%dma_wait3A_38 : memref<80128x16xf32, #tpu.memory_space<vmem_shared>>)
        tpu.yield
      }) : () -> ()
    }
    %scan3A_15 = arith.constant 20 : i32
    %barrier3A_16 = arith.constant 0 : index
    tpu.barrier barrier_id(%barrier3A_16)
    %mul3A_17 = arith.constant 5000 : i32
    %mul3A_18 = arith.muli %arg1, %mul3A_17 : i32
    %add3A_19 = arith.addi %mul3A_10, %mul3A_18 : i32
    "tpu.region"() ({
      %run_scoped3A = tpu.sem_alloc : memref<!tpu.dma_semaphore, #tpu.memory_space<semaphore_mem>>
      %dma_start3A = arith.constant 0 : i32
      %dma_start3A_20 = tpu.memref_slice %arg4[%add3A_19, %dma_start3A] : memref<160000x16xf32, #tpu.memory_space<hbm>> -> memref<5000x16xf32, #tpu.memory_space<hbm>>
      %dma_start3A_21 = arith.constant 0 : i32
      %dma_start3A_22 = tpu.memref_slice %arg7[%mul3A_18, %dma_start3A_21] : memref<80128x16xf32, #tpu.memory_space<vmem_shared>> -> memref<5000x16xf32, #tpu.memory_space<vmem_shared>>
      tpu.enqueue_dma source(%dma_start3A_22 : memref<5000x16xf32, #tpu.memory_space<vmem_shared>>) target(%dma_start3A_20 : memref<5000x16xf32, #tpu.memory_space<hbm>>) target_semaphore(%run_scoped3A : memref<!tpu.dma_semaphore, #tpu.memory_space<semaphore_mem>>)
      %dma_wait3A = arith.constant 0 : i32
      %dma_wait3A_23 = tpu.memref_slice %arg4[%add3A_19, %dma_wait3A] : memref<160000x16xf32, #tpu.memory_space<hbm>> -> memref<5000x16xf32, #tpu.memory_space<hbm>>
      %dma_wait3A_24 = arith.constant 0 : i32
      %dma_wait3A_25 = tpu.memref_slice %arg7[%mul3A_18, %dma_wait3A_24] : memref<80128x16xf32, #tpu.memory_space<vmem_shared>> -> memref<5000x16xf32, #tpu.memory_space<vmem_shared>>
      tpu.wait_dma2 semaphore(%run_scoped3A : memref<!tpu.dma_semaphore, #tpu.memory_space<semaphore_mem>>) src(%dma_wait3A_25 : memref<5000x16xf32, #tpu.memory_space<vmem_shared>>) dst(%dma_wait3A_23 : memref<5000x16xf32, #tpu.memory_space<hbm>>)
      tpu.yield
    }) : () -> ()
    return
  }
}

module attributes {stable_mosaic.version = 14 : i64} {
  func.func @_proj_body(%arg0: i32, %arg1: memref<320x49xbf16, #tpu.memory_space<vmem>>, %arg2: memref<320x49xbf16, #tpu.memory_space<vmem>>, %arg3: memref<320x49xbf16, #tpu.memory_space<vmem>>, %arg4: memref<320x49xbf16, #tpu.memory_space<vmem>>, %arg5: memref<320x49xbf16, #tpu.memory_space<vmem>>, %arg6: memref<320x49xbf16, #tpu.memory_space<vmem>>, %arg7: memref<320x49xbf16, #tpu.memory_space<vmem>>, %arg8: memref<320x49xbf16, #tpu.memory_space<vmem>>, %arg9: memref<16x49xbf16, #tpu.memory_space<vmem>>, %arg10: memref<320x128xf32, #tpu.memory_space<vmem>>) attributes {dimension_semantics = [#tpu.dimension_semantics<arbitrary>], iteration_bounds = array<i64: 250>, scalar_prefetch = 0 : i64, scratch_operands = 0 : i64, tpu.core_type = #tpu.core_type<tc>, window_params = [{transform_indices = @transform_0, window_bounds = array<i64: 320, 49>}, {transform_indices = @transform_1, window_bounds = array<i64: 320, 49>}, {transform_indices = @transform_2, window_bounds = array<i64: 320, 49>}, {transform_indices = @transform_3, window_bounds = array<i64: 320, 49>}, {transform_indices = @transform_4, window_bounds = array<i64: 320, 49>}, {transform_indices = @transform_5, window_bounds = array<i64: 320, 49>}, {transform_indices = @transform_6, window_bounds = array<i64: 320, 49>}, {transform_indices = @transform_7, window_bounds = array<i64: 320, 49>}, {pipeline_mode = #tpu.pipeline_mode<synchronous>, transform_indices = @transform_8, window_bounds = array<i64: 16, 49>}, {transform_indices = @transform_9, window_bounds = array<i64: 320, 128>}]} {
    %get3A = arith.constant 0 : index
    %get3A_0 = arith.constant 0 : index
    %get3A_1 = vector.load %arg1[%get3A, %get3A_0] : memref<320x49xbf16, #tpu.memory_space<vmem>>, vector<320x49xbf16>
    %get3A_2 = arith.constant 0 : index
    %get3A_3 = arith.constant 0 : index
    %get3A_4 = vector.load %arg9[%get3A_2, %get3A_3] : memref<16x49xbf16, #tpu.memory_space<vmem>>, vector<16x49xbf16>
    %dot_general3A = arith.constant dense<0.000000e+00> : vector<320x16xf32>
    %dot_general3A_5 = tpu.matmul %get3A_1, %get3A_4, %dot_general3A {dimension_numbers = #tpu.dot_dimension_numbers<[1], [1], [0], [0], [0, 0, 1, 0], [], []>, transpose_lhs_hint = false} : vector<320x49xbf16>, vector<16x49xbf16>, vector<320x16xf32> -> vector<320x16xf32>
    %get3A_6 = arith.constant 0 : index
    %get3A_7 = arith.constant 0 : index
    %get3A_8 = vector.load %arg2[%get3A_6, %get3A_7] : memref<320x49xbf16, #tpu.memory_space<vmem>>, vector<320x49xbf16>
    %get3A_9 = arith.constant 0 : index
    %get3A_10 = arith.constant 0 : index
    %get3A_11 = vector.load %arg9[%get3A_9, %get3A_10] : memref<16x49xbf16, #tpu.memory_space<vmem>>, vector<16x49xbf16>
    %dot_general3A_12 = arith.constant dense<0.000000e+00> : vector<320x16xf32>
    %dot_general3A_13 = tpu.matmul %get3A_8, %get3A_11, %dot_general3A_12 {dimension_numbers = #tpu.dot_dimension_numbers<[1], [1], [0], [0], [0, 0, 1, 0], [], []>, transpose_lhs_hint = false} : vector<320x49xbf16>, vector<16x49xbf16>, vector<320x16xf32> -> vector<320x16xf32>
    %get3A_14 = arith.constant 0 : index
    %get3A_15 = arith.constant 0 : index
    %get3A_16 = vector.load %arg3[%get3A_14, %get3A_15] : memref<320x49xbf16, #tpu.memory_space<vmem>>, vector<320x49xbf16>
    %get3A_17 = arith.constant 0 : index
    %get3A_18 = arith.constant 0 : index
    %get3A_19 = vector.load %arg9[%get3A_17, %get3A_18] : memref<16x49xbf16, #tpu.memory_space<vmem>>, vector<16x49xbf16>
    %dot_general3A_20 = arith.constant dense<0.000000e+00> : vector<320x16xf32>
    %dot_general3A_21 = tpu.matmul %get3A_16, %get3A_19, %dot_general3A_20 {dimension_numbers = #tpu.dot_dimension_numbers<[1], [1], [0], [0], [0, 0, 1, 0], [], []>, transpose_lhs_hint = false} : vector<320x49xbf16>, vector<16x49xbf16>, vector<320x16xf32> -> vector<320x16xf32>
    %get3A_22 = arith.constant 0 : index
    %get3A_23 = arith.constant 0 : index
    %get3A_24 = vector.load %arg4[%get3A_22, %get3A_23] : memref<320x49xbf16, #tpu.memory_space<vmem>>, vector<320x49xbf16>
    %get3A_25 = arith.constant 0 : index
    %get3A_26 = arith.constant 0 : index
    %get3A_27 = vector.load %arg9[%get3A_25, %get3A_26] : memref<16x49xbf16, #tpu.memory_space<vmem>>, vector<16x49xbf16>
    %dot_general3A_28 = arith.constant dense<0.000000e+00> : vector<320x16xf32>
    %dot_general3A_29 = tpu.matmul %get3A_24, %get3A_27, %dot_general3A_28 {dimension_numbers = #tpu.dot_dimension_numbers<[1], [1], [0], [0], [0, 0, 1, 0], [], []>, transpose_lhs_hint = false} : vector<320x49xbf16>, vector<16x49xbf16>, vector<320x16xf32> -> vector<320x16xf32>
    %get3A_30 = arith.constant 0 : index
    %get3A_31 = arith.constant 0 : index
    %get3A_32 = vector.load %arg5[%get3A_30, %get3A_31] : memref<320x49xbf16, #tpu.memory_space<vmem>>, vector<320x49xbf16>
    %get3A_33 = arith.constant 0 : index
    %get3A_34 = arith.constant 0 : index
    %get3A_35 = vector.load %arg9[%get3A_33, %get3A_34] : memref<16x49xbf16, #tpu.memory_space<vmem>>, vector<16x49xbf16>
    %dot_general3A_36 = arith.constant dense<0.000000e+00> : vector<320x16xf32>
    %dot_general3A_37 = tpu.matmul %get3A_32, %get3A_35, %dot_general3A_36 {dimension_numbers = #tpu.dot_dimension_numbers<[1], [1], [0], [0], [0, 0, 1, 0], [], []>, transpose_lhs_hint = false} : vector<320x49xbf16>, vector<16x49xbf16>, vector<320x16xf32> -> vector<320x16xf32>
    %get3A_38 = arith.constant 0 : index
    %get3A_39 = arith.constant 0 : index
    %get3A_40 = vector.load %arg6[%get3A_38, %get3A_39] : memref<320x49xbf16, #tpu.memory_space<vmem>>, vector<320x49xbf16>
    %get3A_41 = arith.constant 0 : index
    %get3A_42 = arith.constant 0 : index
    %get3A_43 = vector.load %arg9[%get3A_41, %get3A_42] : memref<16x49xbf16, #tpu.memory_space<vmem>>, vector<16x49xbf16>
    %dot_general3A_44 = arith.constant dense<0.000000e+00> : vector<320x16xf32>
    %dot_general3A_45 = tpu.matmul %get3A_40, %get3A_43, %dot_general3A_44 {dimension_numbers = #tpu.dot_dimension_numbers<[1], [1], [0], [0], [0, 0, 1, 0], [], []>, transpose_lhs_hint = false} : vector<320x49xbf16>, vector<16x49xbf16>, vector<320x16xf32> -> vector<320x16xf32>
    %get3A_46 = arith.constant 0 : index
    %get3A_47 = arith.constant 0 : index
    %get3A_48 = vector.load %arg7[%get3A_46, %get3A_47] : memref<320x49xbf16, #tpu.memory_space<vmem>>, vector<320x49xbf16>
    %get3A_49 = arith.constant 0 : index
    %get3A_50 = arith.constant 0 : index
    %get3A_51 = vector.load %arg9[%get3A_49, %get3A_50] : memref<16x49xbf16, #tpu.memory_space<vmem>>, vector<16x49xbf16>
    %dot_general3A_52 = arith.constant dense<0.000000e+00> : vector<320x16xf32>
    %dot_general3A_53 = tpu.matmul %get3A_48, %get3A_51, %dot_general3A_52 {dimension_numbers = #tpu.dot_dimension_numbers<[1], [1], [0], [0], [0, 0, 1, 0], [], []>, transpose_lhs_hint = false} : vector<320x49xbf16>, vector<16x49xbf16>, vector<320x16xf32> -> vector<320x16xf32>
    %get3A_54 = arith.constant 0 : index
    %get3A_55 = arith.constant 0 : index
    %get3A_56 = vector.load %arg8[%get3A_54, %get3A_55] : memref<320x49xbf16, #tpu.memory_space<vmem>>, vector<320x49xbf16>
    %get3A_57 = arith.constant 0 : index
    %get3A_58 = arith.constant 0 : index
    %get3A_59 = vector.load %arg9[%get3A_57, %get3A_58] : memref<16x49xbf16, #tpu.memory_space<vmem>>, vector<16x49xbf16>
    %dot_general3A_60 = arith.constant dense<0.000000e+00> : vector<320x16xf32>
    %dot_general3A_61 = tpu.matmul %get3A_56, %get3A_59, %dot_general3A_60 {dimension_numbers = #tpu.dot_dimension_numbers<[1], [1], [0], [0], [0, 0, 1, 0], [], []>, transpose_lhs_hint = false} : vector<320x49xbf16>, vector<16x49xbf16>, vector<320x16xf32> -> vector<320x16xf32>
    %concatenate3A = tpu.concatenate %dot_general3A_5, %dot_general3A_13, %dot_general3A_21, %dot_general3A_29, %dot_general3A_37, %dot_general3A_45, %dot_general3A_53, %dot_general3A_61 in 1 : vector<320x16xf32>, vector<320x16xf32>, vector<320x16xf32>, vector<320x16xf32>, vector<320x16xf32>, vector<320x16xf32>, vector<320x16xf32>, vector<320x16xf32> -> vector<320x128xf32>
    %swap3A = arith.constant 0 : index
    %swap3A_62 = arith.constant 0 : index
    %swap3A_63 = vector.load %arg10[%swap3A, %swap3A_62] : memref<320x128xf32, #tpu.memory_space<vmem>>, vector<320x128xf32>
    tpu.vector_store %arg10[%swap3A, %swap3A_62], %concatenate3A {strides = array<i32>} : memref<320x128xf32, #tpu.memory_space<vmem>>, vector<320x128xf32>,
    return
  }
  func.func @transform_0(%arg0: i32) -> (i32, i32) {
    %add3A = arith.constant 0 : i32
    %add3A_0 = arith.addi %add3A, %arg0 : i32
    %c0_i32 = arith.constant 0 : i32
    %c0_i32_1 = arith.constant 0 : i32
    return %add3A_0, %c0_i32 : i32, i32
  }
  func.func @transform_1(%arg0: i32) -> (i32, i32) {
    %add3A = arith.constant 250 : i32
    %add3A_0 = arith.addi %add3A, %arg0 : i32
    %c0_i32 = arith.constant 0 : i32
    %c0_i32_1 = arith.constant 0 : i32
    return %add3A_0, %c0_i32 : i32, i32
  }
  func.func @transform_2(%arg0: i32) -> (i32, i32) {
    %add3A = arith.constant 500 : i32
    %add3A_0 = arith.addi %add3A, %arg0 : i32
    %c0_i32 = arith.constant 0 : i32
    %c0_i32_1 = arith.constant 0 : i32
    return %add3A_0, %c0_i32 : i32, i32
  }
  func.func @transform_3(%arg0: i32) -> (i32, i32) {
    %add3A = arith.constant 750 : i32
    %add3A_0 = arith.addi %add3A, %arg0 : i32
    %c0_i32 = arith.constant 0 : i32
    %c0_i32_1 = arith.constant 0 : i32
    return %add3A_0, %c0_i32 : i32, i32
  }
  func.func @transform_4(%arg0: i32) -> (i32, i32) {
    %add3A = arith.constant 1000 : i32
    %add3A_0 = arith.addi %add3A, %arg0 : i32
    %c0_i32 = arith.constant 0 : i32
    %c0_i32_1 = arith.constant 0 : i32
    return %add3A_0, %c0_i32 : i32, i32
  }
  func.func @transform_5(%arg0: i32) -> (i32, i32) {
    %add3A = arith.constant 1250 : i32
    %add3A_0 = arith.addi %add3A, %arg0 : i32
    %c0_i32 = arith.constant 0 : i32
    %c0_i32_1 = arith.constant 0 : i32
    return %add3A_0, %c0_i32 : i32, i32
  }
  func.func @transform_6(%arg0: i32) -> (i32, i32) {
    %add3A = arith.constant 1500 : i32
    %add3A_0 = arith.addi %add3A, %arg0 : i32
    %c0_i32 = arith.constant 0 : i32
    %c0_i32_1 = arith.constant 0 : i32
    return %add3A_0, %c0_i32 : i32, i32
  }
  func.func @transform_7(%arg0: i32) -> (i32, i32) {
    %add3A = arith.constant 1750 : i32
    %add3A_0 = arith.addi %add3A, %arg0 : i32
    %c0_i32 = arith.constant 0 : i32
    %c0_i32_1 = arith.constant 0 : i32
    return %add3A_0, %c0_i32 : i32, i32
  }
  func.func @transform_8(%arg0: i32) -> (i32, i32) {
    %c0_i32 = arith.constant 0 : i32
    %c0_i32_0 = arith.constant 0 : i32
    %c0_i32_1 = arith.constant 0 : i32
    return %c0_i32, %c0_i32_0 : i32, i32
  }
  func.func @transform_9(%arg0: i32) -> (i32, i32) {
    %c0_i32 = arith.constant 0 : i32
    %c0_i32_0 = arith.constant 0 : i32
    return %arg0, %c0_i32 : i32, i32
  }
}

module attributes {stable_mosaic.version = 14 : i64} {
  func.func @_ef_body(%arg0: i32, %arg1: memref<4000x134xf32, #tpu.memory_space<vmem>>, %arg2: memref<4000x6xf32, #tpu.memory_space<vmem>>, %arg3: memref<134x134xbf16, #tpu.memory_space<vmem>>, %arg4: memref<1x134xf32, #tpu.memory_space<vmem>>, %arg5: memref<134x6xbf16, #tpu.memory_space<vmem>>, %arg6: memref<4000x134xbf16, #tpu.memory_space<vmem>>) attributes {dimension_semantics = [#tpu.dimension_semantics<arbitrary>], iteration_bounds = array<i64: 40>, scalar_prefetch = 0 : i64, scratch_operands = 0 : i64, tpu.core_type = #tpu.core_type<tc>, window_params = [{transform_indices = @transform_0, window_bounds = array<i64: 4000, 134>}, {transform_indices = @transform_1, window_bounds = array<i64: 4000, 6>}, {pipeline_mode = #tpu.pipeline_mode<synchronous>, transform_indices = @transform_2, window_bounds = array<i64: 134, 134>}, {pipeline_mode = #tpu.pipeline_mode<synchronous>, transform_indices = @transform_3, window_bounds = array<i64: 1, 134>}, {pipeline_mode = #tpu.pipeline_mode<synchronous>, transform_indices = @transform_4, window_bounds = array<i64: 134, 6>}, {transform_indices = @transform_5, window_bounds = array<i64: 4000, 134>}]} {
    %get3A = arith.constant 0 : index
    %get3A_0 = arith.constant 0 : index
    %get3A_1 = vector.load %arg1[%get3A, %get3A_0] : memref<4000x134xf32, #tpu.memory_space<vmem>>, vector<4000x134xf32>
    %convert_element_type3A = arith.truncf %get3A_1 : vector<4000x134xf32> to vector<4000x134xbf16>
    %get3A_2 = arith.constant 0 : index
    %get3A_3 = arith.constant 0 : index
    %get3A_4 = vector.load %arg3[%get3A_2, %get3A_3] : memref<134x134xbf16, #tpu.memory_space<vmem>>, vector<134x134xbf16>
    %dot_general3A = arith.constant dense<0.000000e+00> : vector<4000x134xf32>
    %dot_general3A_5 = tpu.matmul %convert_element_type3A, %get3A_4, %dot_general3A {dimension_numbers = #tpu.dot_dimension_numbers<[1], [1], [0], [0], [0, 0, 1, 0], [], []>, transpose_lhs_hint = false} : vector<4000x134xbf16>, vector<134x134xbf16>, vector<4000x134xf32> -> vector<4000x134xf32>
    %get3A_6 = arith.constant 0 : index
    %get3A_7 = arith.constant 0 : index
    %get3A_8 = vector.load %arg4[%get3A_6, %get3A_7] : memref<1x134xf32, #tpu.memory_space<vmem>>, vector<1x134xf32>
    %add3A = vector.broadcast %get3A_8 : vector<1x134xf32> to vector<4000x134xf32>
    %add3A_9 = arith.addf %dot_general3A_5, %add3A : vector<4000x134xf32>
    %logistic3A = arith.negf %add3A_9 : vector<4000x134xf32>
    %logistic3A_10 = math.exp %logistic3A : vector<4000x134xf32>
    %logistic3A_11 = arith.constant 1.000000e+00 : f32
    %logistic3A_12 = vector.broadcast %logistic3A_11 : f32 to vector<4000x134xf32>
    %logistic3A_13 = arith.addf %logistic3A_12, %logistic3A_10 : vector<4000x134xf32>
    %logistic3A_14 = arith.divf %logistic3A_12, %logistic3A_13 : vector<4000x134xf32>
    %mul3A = arith.mulf %add3A_9, %logistic3A_14 : vector<4000x134xf32>
    %get3A_15 = arith.constant 0 : index
    %get3A_16 = arith.constant 0 : index
    %get3A_17 = vector.load %arg2[%get3A_15, %get3A_16] : memref<4000x6xf32, #tpu.memory_space<vmem>>, vector<4000x6xf32>
    %convert_element_type3A_18 = arith.truncf %get3A_17 : vector<4000x6xf32> to vector<4000x6xbf16>
    %get3A_19 = arith.constant 0 : index
    %get3A_20 = arith.constant 0 : index
    %get3A_21 = vector.load %arg5[%get3A_19, %get3A_20] : memref<134x6xbf16, #tpu.memory_space<vmem>>, vector<134x6xbf16>
    %dot_general3A_22 = arith.constant dense<0.000000e+00> : vector<4000x134xf32>
    %dot_general3A_23 = tpu.matmul %convert_element_type3A_18, %get3A_21, %dot_general3A_22 {dimension_numbers = #tpu.dot_dimension_numbers<[1], [1], [0], [0], [0, 0, 1, 0], [], []>, transpose_lhs_hint = false} : vector<4000x6xbf16>, vector<134x6xbf16>, vector<4000x134xf32> -> vector<4000x134xf32>
    %mul3A_24 = arith.mulf %mul3A, %dot_general3A_23 : vector<4000x134xf32>
    %convert_element_type3A_25 = arith.truncf %mul3A_24 : vector<4000x134xf32> to vector<4000x134xbf16>
    %swap3A = arith.constant 0 : index
    %swap3A_26 = arith.constant 0 : index
    %swap3A_27 = vector.load %arg6[%swap3A, %swap3A_26] : memref<4000x134xbf16, #tpu.memory_space<vmem>>, vector<4000x134xbf16>
    tpu.vector_store %arg6[%swap3A, %swap3A_26], %convert_element_type3A_25 {strides = array<i32>} : memref<4000x134xbf16, #tpu.memory_space<vmem>>, vector<4000x134xbf16>,
    return
  }
  func.func @transform_0(%arg0: i32) -> (i32, i32) {
    %c0_i32 = arith.constant 0 : i32
    %c0_i32_0 = arith.constant 0 : i32
    return %arg0, %c0_i32 : i32, i32
  }
  func.func @transform_1(%arg0: i32) -> (i32, i32) {
    %c0_i32 = arith.constant 0 : i32
    %c0_i32_0 = arith.constant 0 : i32
    return %arg0, %c0_i32 : i32, i32
  }
  func.func @transform_2(%arg0: i32) -> (i32, i32) {
    %c0_i32 = arith.constant 0 : i32
    %c0_i32_0 = arith.constant 0 : i32
    %c0_i32_1 = arith.constant 0 : i32
    return %c0_i32, %c0_i32_0 : i32, i32
  }
  func.func @transform_3(%arg0: i32) -> (i32, i32) {
    %c0_i32 = arith.constant 0 : i32
    %c0_i32_0 = arith.constant 0 : i32
    %c0_i32_1 = arith.constant 0 : i32
    return %c0_i32, %c0_i32_0 : i32, i32
  }
  func.func @transform_4(%arg0: i32) -> (i32, i32) {
    %c0_i32 = arith.constant 0 : i32
    %c0_i32_0 = arith.constant 0 : i32
    %c0_i32_1 = arith.constant 0 : i32
    return %c0_i32, %c0_i32_0 : i32, i32
  }
  func.func @transform_5(%arg0: i32) -> (i32, i32) {
    %c0_i32 = arith.constant 0 : i32
    %c0_i32_0 = arith.constant 0 : i32
    return %arg0, %c0_i32 : i32, i32
  }
}

module attributes {stable_mosaic.version = 14 : i64} {
  func.func @_final_body(%arg0: i32, %arg1: memref<4000x134xbf16, #tpu.memory_space<vmem>>, %arg2: memref<4000x16xf32, #tpu.memory_space<vmem>>, %arg3: memref<16x134xbf16, #tpu.memory_space<vmem>>, %arg4: memref<4000x134xf32, #tpu.memory_space<vmem>>) attributes {dimension_semantics = [#tpu.dimension_semantics<arbitrary>], iteration_bounds = array<i64: 40>, scalar_prefetch = 0 : i64, scratch_operands = 0 : i64, tpu.core_type = #tpu.core_type<tc>, window_params = [{transform_indices = @transform_0, window_bounds = array<i64: 4000, 134>}, {transform_indices = @transform_1, window_bounds = array<i64: 4000, 16>}, {pipeline_mode = #tpu.pipeline_mode<synchronous>, transform_indices = @transform_2, window_bounds = array<i64: 16, 134>}, {transform_indices = @transform_3, window_bounds = array<i64: 4000, 134>}]} {
    %get3A = arith.constant 0 : index
    %get3A_0 = arith.constant 0 : index
    %get3A_1 = vector.load %arg2[%get3A, %get3A_0] : memref<4000x16xf32, #tpu.memory_space<vmem>>, vector<4000x16xf32>
    %convert_element_type3A = arith.truncf %get3A_1 : vector<4000x16xf32> to vector<4000x16xbf16>
    %get3A_2 = arith.constant 0 : index
    %get3A_3 = arith.constant 0 : index
    %get3A_4 = vector.load %arg3[%get3A_2, %get3A_3] : memref<16x134xbf16, #tpu.memory_space<vmem>>, vector<16x134xbf16>
    %dot_general3A = arith.constant dense<0.000000e+00> : vector<4000x134xf32>
    %dot_general3A_5 = tpu.matmul %convert_element_type3A, %get3A_4, %dot_general3A {dimension_numbers = #tpu.dot_dimension_numbers<[1], [0], [0], [1], [0, 0, 1, 1], [], []>, transpose_lhs_hint = false} : vector<4000x16xbf16>, vector<16x134xbf16>, vector<4000x134xf32> -> vector<4000x134xf32>
    %get3A_6 = arith.constant 0 : index
    %get3A_7 = arith.constant 0 : index
    %get3A_8 = vector.load %arg1[%get3A_6, %get3A_7] : memref<4000x134xbf16, #tpu.memory_space<vmem>>, vector<4000x134xbf16>
    %convert_element_type3A_9 = arith.extf %get3A_8 : vector<4000x134xbf16> to vector<4000x134xf32>
    %mul3A = arith.mulf %convert_element_type3A_9, %dot_general3A_5 : vector<4000x134xf32>
    %swap3A = arith.constant 0 : index
    %swap3A_10 = arith.constant 0 : index
    %swap3A_11 = vector.load %arg4[%swap3A, %swap3A_10] : memref<4000x134xf32, #tpu.memory_space<vmem>>, vector<4000x134xf32>
    tpu.vector_store %arg4[%swap3A, %swap3A_10], %mul3A {strides = array<i32>} : memref<4000x134xf32, #tpu.memory_space<vmem>>, vector<4000x134xf32>,
    return
  }
  func.func @transform_0(%arg0: i32) -> (i32, i32) {
    %c0_i32 = arith.constant 0 : i32
    %c0_i32_0 = arith.constant 0 : i32
    return %arg0, %c0_i32 : i32, i32
  }
  func.func @transform_1(%arg0: i32) -> (i32, i32) {
    %c0_i32 = arith.constant 0 : i32
    %c0_i32_0 = arith.constant 0 : i32
    return %arg0, %c0_i32 : i32, i32
  }
  func.func @transform_2(%arg0: i32) -> (i32, i32) {
    %c0_i32 = arith.constant 0 : i32
    %c0_i32_0 = arith.constant 0 : i32
    %c0_i32_1 = arith.constant 0 : i32
    return %c0_i32, %c0_i32_0 : i32, i32
  }
  func.func @transform_3(%arg0: i32) -> (i32, i32) {
    %c0_i32 = arith.constant 0 : i32
    %c0_i32_0 = arith.constant 0 : i32
    return %arg0, %c0_i32 : i32, i32
  }
}

</mosaic_0001>

<sc_bundles>
// kernel: kernel.6.cloned.1.call-start
scs
__scs_entry_jumppad:
0x0: {  	(pc) =	sbr.rel $0x88, $3  }
0x1: {  	(tag) =	ssettag $0x0;
	lr =	simm.s32 $0x1  }
0x2: {  	[smem:$0x3F98] =	sst lr;
	_ =	strace $0xD0000000  }
0x3: {  	_ = 	snop  }
0x4: {  	_ = 	snop  }
0x5: {  	_ = 	snop  }
0x6: {  	_ = 	snop  }
0x7: {  	_ = 	snop  }
__scs_overlays_trampoline_lowered:
0x8: {  	[smem:$0x3FA7] =	sst s0  }
0x9: {  	[smem:$0x3FA8] =	sst s1  }
0xa: {  	[smem:$0x3FA9] =	sst s2  }
0xb: {  	[smem:$0x3FAA] =	sst s3  }
0xc: {  	[smem:$0x3FAB] =	sst s4  }
0xd: {  	[smem:$0x3FAC] =	sst s5  }
0xe: {  	[smem:$0x3FAD] =	sst s6  }
0xf: {  	[smem:$0x3FAE] =	sst s7  }
0x10: {  	[smem:$0x3FAF] =	sst s8  }
0x11: {  	[smem:$0x3FB0] =	sst s9;
	s0 =	simm.s32 @!p0 $0x0  }
0x12: {  	s1 =	sld [smem:$0x3F96];
	s0 =	simm.s32 @p0 $0x1  }
0x13: {  	[smem:$0x3FB1] =	sst s0;
	s0 =	simm.s32 @!p1 $0x0  }
0x14: {  	s2 =	sld [smem:$0x3F95];
	s0 =	simm.s32 @p1 $0x1  }
0x15: {  	[smem:$0x3FB2] =	sst s0;
	s0 =	simm.s32 @!p2 $0x0  }
0x16: {  	s3 =	sld [smem:$0x3FDB];
	s0 =	simm.s32 @p2 $0x1  }
0x17: {  	s4 =	simm.s32 $0x1BF5;
	[smem:$0x3FB4] =	sst s0  }
0x18: {  	s0 =	sld [smem:$0x3F97];
	_ =	swait.ge [sflag:s4], $0x0  }
0x19: {  	s7 =	sld [smem:$0x3F98]  }
0x1a: {  	s8 =	sadd.s32 $0xFFFFE003, lr  }
0x1b: {  	s9 =	sadd.s32 $0xFFFFFEF7, lr;
	s5 =	simm.s32 $0xFFFFFFFF;
	p2 =	slt.u32 s8, $0xFFFFF086  }
0x1c: {  	p1 =	slt.u32 s9, $0xF7A;
	s5 =	simm.s32 @!p2 $0x0  }
0x1d: {  	s5 =	simm.s32 @p1 $0x1;
	p0 =	seq.s32 s7, s2  }
0x1e: {  	s7 =	smul.u32 @!p0 $0xF7A, s2;
	p2 =	seq.s32 @!p0 s5, $0x0  }
0x1f: {  	s9 =	smul.u32 $0xF7A, s1;
	s8 =	simm.s32 @!p0 $0x1BF5;
	p2 =	por !p2, p0  }
0x20: {  	[sflag:s8] =	ssyncset.s32 @!p0 $0xFFFFF086;
	s6 =	sadd.s32 @!p0 s3, s7;
	s7 =	simm.s32 @!p0 $0x108  }
0x21: {  	s3 =	sadd.s32 s3, s9;
	s6 =	sadd.s32 @!p0 $0x88, s6;
	s7 =	simm.s32 @p2 $0x1082  }
0x22: {  	[simem:s7], [sflag:s8] =	dma.local @!p0 [hbm:s6], $0xF7A  }
0x23: {  	s9 =	sor.u32 $0xD0000000, s2;
	s6 =	simm.s32 $0x108;
	_ =	swait.ge @!p0 [sflag:s8], $0x0  }
0x24: {  	s3 =	sadd.s32 $0x88, s3;
	s6 =	simm.s32 @!p1 $0x1082;
	[sflag:s4] =	ssyncset.s32 $0xFFFFF086  }
0x25: {  	[simem:s6], [sflag:s4] =	dma.local [hbm:s3], $0xF7A  }
0x26: {  	[smem:$0x3F98] =	sst s1;
	(tag) =	ssettag s2;
	_ =	strace s9  }
0x27: {  	s1 =	sld [smem:$0x3FA8]  }
0x28: {  	s2 =	sld [smem:$0x3FA9]  }
0x29: {  	s4 =	sld [smem:$0x3FAB]  }
0x2a: {  	p0 =	seq.s32 s5, $0x0;
	s5 =	sld [smem:$0x3FAC]  }
0x2b: {  	s6 =	sld [smem:$0x3FAD]  }
0x2c: {  	s7 =	sld [smem:$0x3FAE]  }
0x2d: {  	s3 =	simm.s32 $0x108;
	s8 =	sld [smem:$0x3FAF]  }
0x2e: {  	s3 =	simm.s32 @!p0 $0x1082;
	s9 =	sld [smem:$0x3FB0]  }
0x2f: {  	lr =	sadd.s32 s0, s3;
	s0 =	sld [smem:$0x3FA7]  }
0x30: {  	s3 =	sld [smem:$0x3FAA]  }
0x31: {  	[smem:$0x3FB3] =	sst s10  }
0x32: {  	s10 =	sld [smem:$0x3FB1];
	_ =	sdelay $0x3  }
0x33: {  	p0 =	seq.s32 s10, $0x1;
	s10 =	sld [smem:$0x3FB3];
	_ =	sdelay $0x3  }
0x34: {  	[smem:$0x3FB3] =	sst s10  }
0x35: {  	s10 =	sld [smem:$0x3FB2];
	_ =	sdelay $0x3  }
0x36: {  	p1 =	seq.s32 s10, $0x1;
	s10 =	sld [smem:$0x3FB3];
	_ =	sdelay $0x3  }
0x37: {  	[smem:$0x3FB3] =	sst s10  }
0x38: {  	s10 =	sld [smem:$0x3FB4]  }
0x39: {  	_ = 	snop;
	(pc) =	sbr.ind lr, $3  }
0x3a: {  	_ = 	snop  }
0x3b: {  	_ = 	snop  }
0x3c: {  	p2 =	seq.s32 s10, $0x1;
	s10 =	sld [smem:$0x3FB3]  }
0x3d: {  	_ =	shalt  }
0x3e: {  	_ =	shalt  }
0x3f: {  	_ =	shalt  }
0x40: {  	_ =	shalt  }
0x41: {  	_ =	shalt  }
0x42: {  	_ =	shalt  }
0x43: {  	_ =	shalt  }
0x44: {  	_ =	shalt  }
0x45: {  	_ =	shalt  }
0x46: {  	_ =	shalt  }
0x47: {  	_ =	shalt  }
0x48: {  	_ =	shalt  }
0x49: {  	_ =	shalt  }
0x4a: {  	_ =	shalt  }
0x4b: {  	_ =	shalt  }
0x4c: {  	_ =	shalt  }
0x4d: {  	_ =	shalt  }
0x4e: {  	_ =	shalt  }
0x4f: {  	_ =	shalt  }
0x50: {  	_ =	shalt  }
0x51: {  	_ =	shalt  }
0x52: {  	_ =	shalt  }
0x53: {  	_ =	shalt  }
0x54: {  	_ =	shalt  }
0x55: {  	_ =	shalt  }
0x56: {  	_ =	shalt  }
0x57: {  	_ =	shalt  }
0x58: {  	_ =	shalt  }
0x59: {  	_ =	shalt  }
0x5a: {  	_ =	shalt  }
0x5b: {  	_ =	shalt  }
0x5c: {  	_ =	shalt  }
0x5d: {  	_ =	shalt  }
0x5e: {  	_ =	shalt  }
0x5f: {  	_ =	shalt  }
0x60: {  	_ =	shalt  }
0x61: {  	_ =	shalt  }
0x62: {  	_ =	shalt  }
0x63: {  	_ =	shalt  }
0x64: {  	_ =	shalt  }
0x65: {  	_ =	shalt  }
0x66: {  	_ =	shalt  }
0x67: {  	_ =	shalt  }
0x68: {  	_ =	shalt  }
0x69: {  	_ =	shalt  }
0x6a: {  	_ =	shalt  }
0x6b: {  	_ =	shalt  }
0x6c: {  	_ =	shalt  }
0x6d: {  	_ =	shalt  }
0x6e: {  	_ =	shalt  }
0x6f: {  	_ =	shalt  }
0x70: {  	_ =	shalt  }
0x71: {  	_ =	shalt  }
0x72: {  	_ =	shalt  }
0x73: {  	_ =	shalt  }
0x74: {  	_ =	shalt  }
0x75: {  	_ =	shalt  }
0x76: {  	_ =	shalt  }
0x77: {  	_ =	shalt  }
0x78: {  	_ =	shalt  }
0x79: {  	_ =	shalt  }
0x7a: {  	_ =	shalt  }
0x7b: {  	_ =	shalt  }
0x7c: {  	_ =	shalt  }
0x7d: {  	_ =	shalt  }
0x7e: {  	_ =	shalt  }
0x7f: {  	_ =	shalt  }
0x80: {  	_ =	shalt  }
0x81: {  	_ =	shalt  }
0x82: {  	_ =	shalt  }
0x83: {  	_ =	shalt  }
0x84: {  	_ =	shalt  }
0x85: {  	_ =	shalt  }
0x86: {  	_ =	shalt  }
0x87: {  	_ =	shalt  }
.Lfunc_end0:
.L_simem_size_0:
called_computation_lowered:
.L_overlay_start_0:
0x88: {  	s2 =	sld [smem:$0x3FD9]  }
0x89: {  	s3 =	sld [smem:$0x3FFE];
	_ =	sdelay $0x1  }
0x8a: {  	s1 =	srdreg.scid  }
0x8b: {  	s0 =	sand.u32 $0x1, s1  }
0x8c: {  	s16 =	sshll.u32 s0, $0xA;
	s2 =	sadd.s32 s3, s2  }
0x8d: {  	s2 =	sadd.s32 s2, s16  }
0x8e: {  	[smem:$0x3FBF] =	sst s2  }
0x8f: {  	_ = 	snop  }
0x90: {  	(tm) =	ssettm $0x1  }
0x91: {  	s17 =	sld [smem:$0x3FFB];
	_ =	sdelay $0x3  }
0x92: {  	_ =	strace s17  }
0x93: {  	s2 =	sld [smem:$0x3FFC];
	_ =	sdelay $0x3  }
0x94: {  	_ =	strace s2  }
0x95: {  	s2 =	sld [smem:$0x3FFD];
	_ =	sdelay $0x3  }
0x96: {  	_ =	strace s2  }
0x97: {  	_ =	strace $0x8FFFFFFF  }
0x98: {  	s18 =	sld [smem:$0x3FDB];
	_ =	sdelay $0x1  }
0x99: {  	s19 =	simm.s32 $_scs_section_size  }
0x9a: {  	s4 =	simm.s32 $_size__tile_overlayer_lowered;
	s5 =	simm.s32 $_tile_overlayer_lowered  }
0x9b: {  	s22 =	simm.s32 $0x1BFF;
	s21 =	sshll.u32 s5, $0x1;
	s2 =	sadd.s32 s19, s18  }
0x9c: {  	s6 =	simm.s32 $0x0;
	s20 =	sshll.u32 s4, $0x1;
	s4 =	sadd.s32 s21, s2  }
0x9d: {  	[timem:s6], [sflag:s22] =	dma.local [hbm:s4], s20  }
0x9e: {  	_ =	swait.ge [sflag:s22], s20  }
0x9f: {  	s3 =	ssub.s32 $0x0, s20;
	[sflag:s22] =	ssyncset.done $0x0  }
0xa0: {  	[sflag:s22] =	ssyncadd.s32 s3;
	_ =	sdelay $0x1  }
0xa1: {  	s23 =	simm.s32 $0x1B8B  }
0xa2: {  	_ =	swait.ge [sflag:s23], $0x1  }
0xa3: {  	[sflag:s23] =	ssyncset.done $0x0  }
0xa4: {  	s25 =	simm.s32 $0x1B8E;
	s24 =	sld [smem:$0x3FFE];
	[sflag:s23] =	ssyncadd.s32 $0xFFFFFFFF  }
0xa5: {  	s26 =	simm.s32 $execute0_lowered;
	[smem:$0x3FD2] =	sst s25  }
0xa6: {  	s4 =	sshll.u32 s26, $0x1;
	_ =	strace $0x80000046;
	[dreg:$0x1] =	wrdreg $0xFFFFFFFF  }
0xa7: {  	s28 =	simm.s32 $_size_execute0_lowered;
	s2 =	sadd.s32 s2, s4;
	[dreg:$0x0] =	wrdreg $0x0  }
0xa8: {  	s4 =	sshll.u32 s28, $0x1;
	[dreg:$0x2] =	wrdreg s2  }
0xa9: {  	[dreg:$0x3] =	wrdreg s4  }
0xaa: {  	[dreg:$0x4] =	wrdreg $0xC0  }
0xab: {  	_ =	task [dreg:s6], $0x5FFFF  }
0xac: {  	[dreg:$0x1] =	wrdreg $0xFFFFFFFF  }
0xad: {  	[dreg:$0x0] =	wrdreg $0x60  }
0xae: {  	[dreg:$0x2] =	wrdreg s24  }
0xaf: {  	[dreg:$0x3] =	wrdreg $0x84D00  }
0xb0: {  	[dreg:$0x4] =	wrdreg $0x9  }
0xb1: {  	_ =	task.clear_ibuf [dreg:s6], $0x5FFFF;
	_ =	strace $0x90000046  }
0xb2: {  	s29 =	simm.s32 $0x9;
	_ =	strace $0x80000048  }
0xb3: {  	_ =	swait.ge [sflag:s29], $0x1  }
0xb4: {  	[sflag:s29] =	ssyncadd.s32 $0xFFFFFFFF  }
0xb5: {  	_ =	strace $0x90000048  }
0xb6: {  	_ =	sfence  }
0xb7: {  	s30 =	sld [smem:$0x0];
	_ =	sdelay $0x2  }
0xb8: {  	s31 =	sshll.u32 s1, $0xD;
	s1 =	sshrl.u32 s1, $0x2  }
0xb9: {  	s3 =	sand.u32 $0x4000, s31;
	s1 =	sadd.s32 s1, s30  }
0xba: {  	s0 =	sor.u32 s3, s0;
	s1 =	sshll.u32 s1, $0x11  }
0xbb: {  	s0 =	sor.u32 s1, s0  }
0xbc: {  	s0 =	sadd.s32 $0x8F2B, s0  }
0xbd: {  	[sflag:s0] =	ssyncadd.remote.s32 $0x1  }
0xbe: {  	_ =	sfence.sel $0xFFFF  }
0xbf: {  	[dreg:$0x0] =	wrdreg $0xFFFFFFFF;
	(pc) =	sbr.abs _section_cstart, $3  }
0xc0: {  	[dreg:$0x1] =	wrdreg $0xFFFFFFFF  }
0xc1: {  	_ =	task.clear_ibuf [dreg:s6], $0x2FFFF;
	_ =	strace $0x9FFFFFFF  }
0xc2: {  	(tm) =	ssettm $0x7FFFFFFF  }
0xc3: {  	_ =	shalt  }
tec
execute0_lowered:
.L_overlay_start_1:
0x0: {  	(tag) =	ssettag $0x1  }
0x1: {  	s6 =	rddreg [dreg:$0x0];
	s0 =	srdreg.scid  }
0x2: {  	s2 =	rddreg [dreg:$0x1];
	s1 =	stileid.u32  }
0x3: {  	s3 =	simm.s32 $0x0;
	s13 =	simm.s32 $0x7D00;
	s4 =	smul.u32 $0x1388, s1  }
0x4: {  	s7 =	sand.u32 $0x1, s0;
	s0 =	rddreg [dreg:$0x2];
	s9 =	smul.u32 $0x4E400, s1  }
0x5: {  	s14 =	simm.s32 $0x7D0;
	[smem:$0x7FF] =	sst s3;
	s11 =	smul.u32 $0x4E200, s1  }
0x6: {  	s5 =	sadd.s32 $0x4E3800, s6;
	s17 =	sshll.u32 s1, $0x6;
	s15 =	smul.u32 $0x13880, s7  }
0x7: {  	_ =	strace $0x80000047;
	s7 =	ssub.s32 $0x2, s7;
	s30 =	sshrl.u32 s9, $0x2  }
0x8: {  	s31 =	sshrl.u32 s7, $0x1;
	s9 =	smul.u32 $0x9C40, s1;
	s11 =	sshrl.u32 s11, $0x2  }
0x9: {  	s8 =	sadd.s32 s4, s15;
	s4 =	sadd.s32 $0x4F7200, s6;
	s12 =	ssub.s32 s7, s31  }
0xa: {  	s16 =	sadd.s32 s11, s2;
	v0 =	vmov s15;
	s15 =	sor.u32 $0x1C01, s17;
	s17 =	simm.s32 $0x0  }
0xb: {  	s8 =	sshll.u32 s8, $0x1;
	s11 =	smax.u32 s12, $0x1;
	s12 =	simm.s32 $0x1  }
0xc: {  	s16 =	sshrl.u32 s16, $0x3;
	s10 =	sadd.s32 s8, s6;
	s6 =	sadd.s32 s30, s2  }
0xd: {  	v1 =	vimm.f32 $0.0e+00;
	s7 =	sadd.s32 $0x7D00, s6;
	s8 =	sadd.s32 $0xFA00, s6;
	s10 =	sadd.s32 $0x1800, s10  }
.LBB2_1:
0xe: {  	s18 =	simm.s32 $0x40;
	s19 =	simm.s32 $0x0  }
.LBB2_2:
0xf: {  	p0 =	sne.s32 s18, $0x1F3C0;
	[tilespmem:s19+$0x0] =	vst v1;
	s19 =	smov.u32 s18;
	s18 =	sadd.s32 $0x40, s18  }
.Ltmp0:
0x10: {  	(pc) =	sbr.rel @p0 .LBB2_2-.Ltmp0, $2  }
0x11: {  	_ =	sdelay $0x2  }
0x12: {  	s19 =	sshra.s32 s19, $0x2  }
0x13: {  	[tilespmem:s19+$0x0] =	vst v1;
	s18 =	simm.s32 $0x0  }
0x14: {  	[spmem:s6] =	stream.linear.scatter [tilespmem:s18], [sflag:$0x1], $0x7D00, $0x38;
	[tilespmem:$0x1BDD0] =	vst v63  }
0x15: {  	_ =	swait.ge [sflag:s12], $0x7D00  }
0x16: {  	[sflag:s12] =	ssyncset.done $0x0  }
0x17: {  	[sflag:s12] =	ssyncadd.s32 $0xFFFF8300  }
0x18: {  	[spmem:s7] =	stream.linear.scatter [tilespmem:s18], [sflag:$0x1], $0x7D00, $0x38;
	[tilespmem:$0x1BDD0] =	vst v63  }
0x19: {  	_ =	swait.ge [sflag:s12], $0x7D00  }
0x1a: {  	[sflag:s12] =	ssyncset.done $0x0  }
0x1b: {  	[sflag:s12] =	ssyncadd.s32 $0xFFFF8300  }
0x1c: {  	[spmem:s8] =	stream.linear.scatter [tilespmem:s18], [sflag:$0x1], $0x3F00, $0x38;
	[tilespmem:$0x1BDD0] =	vst v63  }
0x1d: {  	_ =	swait.ge [sflag:s12], $0x3F00  }
0x1e: {  	[sflag:s12] =	ssyncset.done $0x0  }
0x1f: {  	[sflag:s12] =	ssyncadd.s32 $0xFFFFC100  }
0x20: {  	s19 =	simm.s32 $0x0;
	[bflag:$0x0] =	sbarrier.arrive $0xFFFF  }
.LBB2_4:
0x21: {  	s20 =	smul.u32 $0x7D0, s19;
	_ =	sdelay $0x1  }
0x22: {  	s20 =	sadd.s32 s9, s20  }
0x23: {  	s21 =	sshll.u32 s20, $0x1  }
0x24: {  	s21 =	sadd.s32 s4, s21  }
0x25: {  	[tilespmem:s18], [sflag:$0x1] =	stream.linear.gather [hbm4b:s21+s18], $0x7D00, $0x38;
	[tilespmem:$0x1BDD0] =	vst v63  }
0x26: {  	_ =	swait.ge [sflag:s12], $0x7D00  }
0x27: {  	s20 =	sshrl.u32 s20, $0x3;
	[sflag:s12] =	ssyncset.done $0x0  }
0x28: {  	s20 =	sadd.s32 s5, s20;
	[sflag:s12] =	ssyncadd.s32 $0xFFFF8300  }
0x29: {  	[tilespmem:s13], [sflag:$0x1] =	stream.linear.gather [hbm4b:s20+s18], $0x7D0, $0x38;
	[tilespmem:$0x1BDD0] =	vst v63  }
0x2a: {  	_ =	swait.ge [sflag:s12], $0x7D0  }
0x2b: {  	[sflag:s12] =	ssyncset.done $0x0  }
0x2c: {  	s21 =	simm.s32 $0x40;
	s20 =	simm.s32 $0x0;
	[sflag:s12] =	ssyncadd.s32 $0xFFFFF830  }
.LBB2_5:
0x2d: {  	p0 =	sne.s32 s21, $0x1F00;
	v2 =	vld [tilespmem:s20+$0x7D00];
	_ =	sdelay $0x2  }
.Ltmp1:
0x2e: {  	(pc) =	sbr.rel @p0 .LBB2_5-.Ltmp1, $4  }
0x2f: {  	_ = 	snop  }
0x30: {  	v2 =	vsub.s32 v2, v0  }
0x31: {  	v2 =	vmin.u32 v2, $0x13880  }
0x32: {  	[tilespmem:s20+$0x7D00] =	vst v2;
	s20 =	sshra.s32 s21, $0x2;
	s21 =	sadd.s32 $0x40, s21  }
0x33: {  	v2 =	vld [tilespmem:s20+$0x7D00];
	_ =	sdelay $0x4  }
0x34: {  	s19 =	sadd.s32 $0x1, s19;
	v2 =	vsub.s32 v2, v0  }
0x35: {  	p0 =	sne.s32 s19, $0x14;
	v2 =	vmin.u32 v2, $0x13880  }
.Ltmp2:
0x36: {  	[tilespmem:s20+$0x7D00] =	vst v2;
	(pc) =	sbr.rel @p0 .LBB2_4-.Ltmp2, $4  }
0x37: {  	[spmem:s2] =	stream.indirect.scatter.add.f32 [tilespmem:s3], [sflag:$0x1], $0x10, s13, s14, $0xb8;
	[tilespmem:$0x1BDD0] =	vst v63  }
0x38: {  	_ =	swait.ge [sflag:s12], $0x7D00  }
0x39: {  	[sflag:s12] =	ssyncset.done $0x0  }
0x3a: {  	[sflag:s12] =	ssyncadd.s32 $0xFFFF8300  }
0x3b: {  	s17 =	sadd.s32 $0x1, s17  }
0x3c: {  	p0 =	sne.s32 s17, s11  }
.Ltmp3:
0x3d: {  	[bflag:$0x0] =	sbarrier.arrive $0xFFFF;
	(pc) =	sbr.rel @p0 .LBB2_1-.Ltmp3, $4  }
0x3e: {  	[hbm:s10], [sflag:s15] =	dma.local [spmem:s16], $0x2710  }
0x3f: {  	_ =	swait.ge [sflag:s12], $0x2710  }
0x40: {  	[sflag:s12] =	ssyncset.done $0x0  }
0x41: {  	[sflag:s12] =	ssyncadd.s32 $0xFFFFD8F0  }
0x42: {  	_ =	sfence.sel $0x180000  }
0x43: {  	[bflag:$0x0] =	sbarrier.arrive $0xFFFF  }
0x44: {  	p0 =	sne.s32 s1, $0x0;
	_ =	strace $0x90000047  }
0x45: {  	s0 =	sadd.s32 @!p0 $0x100000, s0;
	[bflag:$0x2] =	sbarrier.arrive $0xFFFF  }
0x46: {  	[sflag:s0] =	ssyncadd.tile.s32 @!p0 $0x1;
	_ =	shalt  }
.Lfunc_end2:
_tile_overlayer_lowered:
.L_overlay_start_2:
0x47: {  	(tag) =	ssettag $0x2  }
0x48: {  	s0 =	rddreg [dreg:$0x0];
	s2 =	stileid.u32  }
0x49: {  	s1 =	rddreg [dreg:$0x1];
	p0 =	sne.s32 s2, $0x0  }
0x4a: {  	s3 =	rddreg [dreg:$0x2];
	[bflag:$0x3] =	sbarrier.arrive $0xFFFF;
	s2 =	simm.s32 @!p0 $0x1C01  }
0x4b: {  	[timem:s3], [sflag:s2] =	dma.local @!p0 [hbm:s0], s1  }
0x4c: {  	s0 =	simm.s32 @!p0 $0x1  }
0x4d: {  	_ =	swait.ge @!p0 [sflag:s0], s1  }
0x4e: {  	s1 =	ssub.s32 @!p0 $0x0, s1;
	[sflag:s0] =	ssyncset.done @!p0 $0x0  }
0x4f: {  	[sflag:s0] =	ssyncadd.s32 @!p0 s1  }
0x50: {  	[bflag:$0x3] =	sbarrier.arrive $0xFFFF  }
0x51: {  	_ =	shalt  }

</sc_bundles>
